<compile_context>
chip_gen: v7x
topology: tpu7x:2x2x1
jax: 0.10.2.dev20260603
libtpu: 0.0.44.dev20260713+nightly
codegen_flags: <defaults>
</compile_context>

<pallas_src>
import functools

import jax
import jax.numpy as jnp
from jax import lax
from jax.experimental import pallas as pl
from jax.experimental.pallas import tpu as pltpu
from jax.experimental.pallas import tpu_sc as plsc

_NB = 101
_L = 16
_NCHUNK = 7
_TAIL = _NB - (_NCHUNK - 1) * _L


def _count_less(bins_v, thresh_vec):
    lane = lax.iota(jnp.int32, _L)
    acc = jnp.zeros((_L,), jnp.int32)
    for k in range(_NCHUNK):
        chunk = bins_v[pl.ds(k * _L, _L)]
        lt = chunk < thresh_vec
        if k == _NCHUNK - 1:
            lt = jnp.logical_and(lt, lane < _TAIL)
        acc = acc + lt.astype(jnp.int32)
    return jnp.sum(acc)


def _gather_scalar(v_ref, idx_vec):
    lane = lax.iota(jnp.int32, _L)
    acc = jnp.zeros((_L,), jnp.float32)
    for k in range(_NCHUNK):
        chunk = v_ref[pl.ds(k * _L, _L)]
        acc = acc + jnp.where(lane + (k * _L) == idx_vec, chunk, 0.0)
    return jnp.sum(acc)


def _gather2_scalar(bins_v, theta_v, idx_vec):
    lane = lax.iota(jnp.int32, _L)
    acc = jnp.zeros((_L,), jnp.float32)
    for k in range(_NCHUNK):
        m = lane + (k * _L) == idx_vec
        acc = acc + jnp.where(m, bins_v[pl.ds(k * _L, _L)], 0.0)
        acc = acc + jnp.where(m, theta_v[pl.ds(k * _L, _L)], 0.0)
    return jnp.sum(acc)


@functools.partial(
    pl.kernel,
    out_type=jax.ShapeDtypeStruct((1,), jnp.float32),
    mesh=plsc.VectorSubcoreMesh(core_axis_name="c", subcore_axis_name="s",
                                num_cores=1, num_subcores=1),
    compiler_params=pltpu.CompilerParams(needs_layout_passes=False),
    scratch_types=[
        pltpu.VMEM((_L,), jnp.float32),
        pltpu.VMEM((_NCHUNK * _L,), jnp.float32),
        pltpu.VMEM((_NCHUNK * _L,), jnp.float32),
        pltpu.VMEM((_L,), jnp.float32),
        pltpu.SemaphoreType.DMA,
        pltpu.SemaphoreType.DMA,
        pltpu.SemaphoreType.DMA,
    ],
)
def _sc_calibrate(pred_hbm, bins_hbm, theta_hbm, out_hbm,
                  pred_v, bins_v, theta_v, out_v, sem_p, sem_b, sem_t):
    cp_p = pltpu.make_async_copy(pred_hbm, pred_v.at[pl.ds(0, 1)], sem_p)
    cp_b = pltpu.make_async_copy(bins_hbm, bins_v.at[pl.ds(0, _NB)], sem_b)
    cp_t = pltpu.make_async_copy(theta_hbm, theta_v.at[pl.ds(0, _NB)], sem_t)
    cp_p.start()
    cp_b.start()
    cp_t.start()
    cp_p.wait()
    cp_b.wait()

    pred_vec = jnp.full((_L,), pred_v[...][0], jnp.float32)

    j = jnp.minimum(_count_less(bins_v, pred_vec), _NB - 1)
    j_vec = jnp.full((_L,), j, jnp.int32)
    cp_t.wait()
    adjusted = _gather2_scalar(bins_v, theta_v, j_vec)
    adj_vec = jnp.full((_L,), adjusted, jnp.float32)

    i = jnp.minimum(_count_less(bins_v, adj_vec), _NB - 1)
    result = _gather_scalar(bins_v, jnp.full((_L,), i, jnp.int32))
    out_v[...] = jnp.full((_L,), result, jnp.float32)
    pltpu.sync_copy(out_v.at[pl.ds(0, 1)], out_hbm)


def kernel(prediction, bin_values, theta):
    pred1 = jnp.reshape(prediction, (1,))
    out = _sc_calibrate(pred1, bin_values, theta)
    return jnp.reshape(out, ())

# --- scband reference (transcript-rebuilt; emitter-appended) ---
"""Pipeline reference for scband-block-calibration-model-78297253806258 (READ-ONLY COPY).

The authoritative reference and input builder live on the scoring server;
editing this copy changes nothing except your own understanding.
"""

import jax, jax.numpy as jnp
import numpy as np

NUM_BINS = 101

def setup_inputs(seed: int = 0) -> dict:
    key = jax.random.key(seed)
    prediction = jax.random.uniform(key, (), dtype=jnp.float32)
    bin_values = jnp.linspace(0.0, 1.0, NUM_BINS, dtype=jnp.float32)
    theta = jnp.zeros((NUM_BINS,), dtype=jnp.float32)
    return {"prediction": prediction, "bin_values": bin_values, "theta": theta}


def reference(prediction, bin_values, theta):
    # torch.bucketize(x, boundaries, right=False) == searchsorted side='left'
    n = bin_values.shape[0]
    j_t = jnp.searchsorted(bin_values, prediction, side='left')
    binned_prediction = bin_values[jnp.minimum(j_t, n - 1)]
    adjusted_prediction = binned_prediction + theta[jnp.minimum(j_t, n - 1)]
    i_t = jnp.searchsorted(bin_values, adjusted_prediction, side='left')
    adjusted_prediction = bin_values[jnp.minimum(i_t, n - 1)]
    return adjusted_prediction

if __name__ == "__main__":
    import jax
    _d = setup_inputs()
    print(jax.jit(kernel)(*tuple(_d.values())))

</pallas_src>

<mosaic_0001>
#map = affine_map<(d0, d1) -> (0)>
module attributes {stable_mosaic.version = 14 : i64} {
  func.func @_sc_calibrate(%arg0: i32, %arg1: i32, %arg2: memref<1xf32, #tpu.memory_space<hbm>>, %arg3: memref<101xf32, #tpu.memory_space<hbm>>, %arg4: memref<101xf32, #tpu.memory_space<hbm>>, %arg5: memref<1xf32, #tpu.memory_space<hbm>>, %arg6: memref<16xf32, #tpu.memory_space<vmem>>, %arg7: memref<112xf32, #tpu.memory_space<vmem>>, %arg8: memref<112xf32, #tpu.memory_space<vmem>>, %arg9: memref<16xf32, #tpu.memory_space<vmem>>, %arg10: memref<!tpu.dma_semaphore, #tpu.memory_space<semaphore_mem>>, %arg11: memref<!tpu.dma_semaphore, #tpu.memory_space<semaphore_mem>>, %arg12: memref<!tpu.dma_semaphore, #tpu.memory_space<semaphore_mem>>) attributes {dimension_semantics = [#tpu.dimension_semantics<core_parallel>, #tpu.dimension_semantics<subcore_parallel>], iteration_bounds = array<i64: 1, 1>, scalar_prefetch = 0 : i64, scratch_operands = 7 : i64, tpu.core_type = #tpu.core_type<sc_vector_subcore>, window_params = [{transform_indices = #map}, {transform_indices = #map}, {transform_indices = #map}, {transform_indices = #map}]} {
    %dma_start3A = arith.constant 0 : i32
    %dma_start3A_0 = tpu.memref_slice %arg6[%dma_start3A] : memref<16xf32, #tpu.memory_space<vmem>> -> memref<1xf32, #tpu.memory_space<vmem>>
    %dma_start3A_1 = arith.constant 0 : i32
    %dma_start3A_2 = tpu.memref_slice %arg6[%dma_start3A_1] : memref<16xf32, #tpu.memory_space<vmem>> -> memref<1xf32, #tpu.memory_space<vmem>>
    tpu.enqueue_dma source(%arg2 : memref<1xf32, #tpu.memory_space<hbm>>) target(%dma_start3A_2 : memref<1xf32, #tpu.memory_space<vmem>>) target_semaphore(%arg10 : memref<!tpu.dma_semaphore, #tpu.memory_space<semaphore_mem>>)
    %dma_start3A_3 = arith.constant 0 : i32
    %dma_start3A_4 = tpu.memref_slice %arg7[%dma_start3A_3] : memref<112xf32, #tpu.memory_space<vmem>> -> memref<101xf32, #tpu.memory_space<vmem>>
    %dma_start3A_5 = arith.constant 0 : i32
    %dma_start3A_6 = tpu.memref_slice %arg7[%dma_start3A_5] : memref<112xf32, #tpu.memory_space<vmem>> -> memref<101xf32, #tpu.memory_space<vmem>>
    tpu.enqueue_dma source(%arg3 : memref<101xf32, #tpu.memory_space<hbm>>) target(%dma_start3A_6 : memref<101xf32, #tpu.memory_space<vmem>>) target_semaphore(%arg11 : memref<!tpu.dma_semaphore, #tpu.memory_space<semaphore_mem>>)
    %dma_start3A_7 = arith.constant 0 : i32
    %dma_start3A_8 = tpu.memref_slice %arg8[%dma_start3A_7] : memref<112xf32, #tpu.memory_space<vmem>> -> memref<101xf32, #tpu.memory_space<vmem>>
    %dma_start3A_9 = arith.constant 0 : i32
    %dma_start3A_10 = tpu.memref_slice %arg8[%dma_start3A_9] : memref<112xf32, #tpu.memory_space<vmem>> -> memref<101xf32, #tpu.memory_space<vmem>>
    tpu.enqueue_dma source(%arg4 : memref<101xf32, #tpu.memory_space<hbm>>) target(%dma_start3A_10 : memref<101xf32, #tpu.memory_space<vmem>>) target_semaphore(%arg12 : memref<!tpu.dma_semaphore, #tpu.memory_space<semaphore_mem>>)
    %dma_wait3A = arith.constant 0 : i32
    %dma_wait3A_11 = tpu.memref_slice %arg6[%dma_wait3A] : memref<16xf32, #tpu.memory_space<vmem>> -> memref<1xf32, #tpu.memory_space<vmem>>
    %dma_wait3A_12 = arith.constant 0 : i32
    %dma_wait3A_13 = tpu.memref_slice %arg6[%dma_wait3A_12] : memref<16xf32, #tpu.memory_space<vmem>> -> memref<1xf32, #tpu.memory_space<vmem>>
    tpu.wait_dma2 semaphore(%arg10 : memref<!tpu.dma_semaphore, #tpu.memory_space<semaphore_mem>>) src(%arg2 : memref<1xf32, #tpu.memory_space<hbm>>) dst(%dma_wait3A_13 : memref<1xf32, #tpu.memory_space<vmem>>)
    %dma_wait3A_14 = arith.constant 0 : i32
    %dma_wait3A_15 = tpu.memref_slice %arg7[%dma_wait3A_14] : memref<112xf32, #tpu.memory_space<vmem>> -> memref<101xf32, #tpu.memory_space<vmem>>
    %dma_wait3A_16 = arith.constant 0 : i32
    %dma_wait3A_17 = tpu.memref_slice %arg7[%dma_wait3A_16] : memref<112xf32, #tpu.memory_space<vmem>> -> memref<101xf32, #tpu.memory_space<vmem>>
    tpu.wait_dma2 semaphore(%arg11 : memref<!tpu.dma_semaphore, #tpu.memory_space<semaphore_mem>>) src(%arg3 : memref<101xf32, #tpu.memory_space<hbm>>) dst(%dma_wait3A_17 : memref<101xf32, #tpu.memory_space<vmem>>)
    %get3A = arith.constant 0 : index
    %get3A_18 = tpu.vector_load %arg6[%get3A] {strides = array<i32>} : memref<16xf32, #tpu.memory_space<vmem>>, vector<16xf32>,
    %slice3A = vector.extract_strided_slice %get3A_18 {offsets = [0], sizes = [1], strides = [1]} : vector<16xf32> to vector<1xf32>
    %squeeze3A = vector.extract %slice3A[0] : f32 from vector<1xf32>
    %broadcast_in_dim3A = vector.broadcast %squeeze3A : f32 to vector<16xf32>
    %iota3A = tpu.iota {dimensions = array<i32: 0>} : vector<16xi32>
    %broadcast_in_dim3A_19 = arith.constant 0 : i32
    %broadcast_in_dim3A_20 = vector.broadcast %broadcast_in_dim3A_19 : i32 to vector<16xi32>
    %get3A_21 = arith.constant 0 : index
    %get3A_22 = tpu.vector_load %arg7[%get3A_21] {strides = array<i32>} : memref<112xf32, #tpu.memory_space<vmem>>, vector<16xf32>,
    %lt3A = arith.cmpf olt, %get3A_22, %broadcast_in_dim3A : vector<16xf32>
    %convert_element_type3A = arith.extui %lt3A : vector<16xi1> to vector<16xi32>
    %add3A = arith.addi %broadcast_in_dim3A_20, %convert_element_type3A : vector<16xi32>
    %get3A_23 = arith.constant 16 : index
    %get3A_24 = tpu.vector_load %arg7[%get3A_23] {strides = array<i32>} : memref<112xf32, #tpu.memory_space<vmem>>, vector<16xf32>,
    %lt3A_25 = arith.cmpf olt, %get3A_24, %broadcast_in_dim3A : vector<16xf32>
    %convert_element_type3A_26 = arith.extui %lt3A_25 : vector<16xi1> to vector<16xi32>
    %add3A_27 = arith.addi %add3A, %convert_element_type3A_26 : vector<16xi32>
    %get3A_28 = arith.constant 32 : index
    %get3A_29 = tpu.vector_load %arg7[%get3A_28] {strides = array<i32>} : memref<112xf32, #tpu.memory_space<vmem>>, vector<16xf32>,
    %lt3A_30 = arith.cmpf olt, %get3A_29, %broadcast_in_dim3A : vector<16xf32>
    %convert_element_type3A_31 = arith.extui %lt3A_30 : vector<16xi1> to vector<16xi32>
    %add3A_32 = arith.addi %add3A_27, %convert_element_type3A_31 : vector<16xi32>
    %get3A_33 = arith.constant 48 : index
    %get3A_34 = tpu.vector_load %arg7[%get3A_33] {strides = array<i32>} : memref<112xf32, #tpu.memory_space<vmem>>, vector<16xf32>,
    %lt3A_35 = arith.cmpf olt, %get3A_34, %broadcast_in_dim3A : vector<16xf32>
    %convert_element_type3A_36 = arith.extui %lt3A_35 : vector<16xi1> to vector<16xi32>
    %add3A_37 = arith.addi %add3A_32, %convert_element_type3A_36 : vector<16xi32>
    %get3A_38 = arith.constant 64 : index
    %get3A_39 = tpu.vector_load %arg7[%get3A_38] {strides = array<i32>} : memref<112xf32, #tpu.memory_space<vmem>>, vector<16xf32>,
    %lt3A_40 = arith.cmpf olt, %get3A_39, %broadcast_in_dim3A : vector<16xf32>
    %convert_element_type3A_41 = arith.extui %lt3A_40 : vector<16xi1> to vector<16xi32>
    %add3A_42 = arith.addi %add3A_37, %convert_element_type3A_41 : vector<16xi32>
    %get3A_43 = arith.constant 80 : index
    %get3A_44 = tpu.vector_load %arg7[%get3A_43] {strides = array<i32>} : memref<112xf32, #tpu.memory_space<vmem>>, vector<16xf32>,
    %lt3A_45 = arith.cmpf olt, %get3A_44, %broadcast_in_dim3A : vector<16xf32>
    %convert_element_type3A_46 = arith.extui %lt3A_45 : vector<16xi1> to vector<16xi32>
    %add3A_47 = arith.addi %add3A_42, %convert_element_type3A_46 : vector<16xi32>
    %get3A_48 = arith.constant 96 : index
    %get3A_49 = tpu.vector_load %arg7[%get3A_48] {strides = array<i32>} : memref<112xf32, #tpu.memory_space<vmem>>, vector<16xf32>,
    %lt3A_50 = arith.cmpf olt, %get3A_49, %broadcast_in_dim3A : vector<16xf32>
    %lt3A_51 = arith.constant 5 : i32
    %lt3A_52 = vector.broadcast %lt3A_51 : i32 to vector<16xi32>
    %lt3A_53 = arith.cmpi slt, %iota3A, %lt3A_52 : vector<16xi32>
    %and3A = arith.andi %lt3A_50, %lt3A_53 : vector<16xi1>
    %convert_element_type3A_54 = arith.extui %and3A : vector<16xi1> to vector<16xi32>
    %add3A_55 = arith.addi %add3A_47, %convert_element_type3A_54 : vector<16xi32>
    %reduce_sum3A = arith.constant true
    %reduce_sum3A_56 = vector.broadcast %reduce_sum3A : i1 to vector<16xi1>
    %reduce_sum3A_57 = tpu.scan <sum>, %add3A_55 masked %reduce_sum3A_56 : vector<16xi32>, vector<16xi1> -> vector<16xi32>
    %reduce_sum3A_58 = vector.extract %reduce_sum3A_57[15] : i32 from vector<16xi32>
    %min3A = arith.constant 100 : i32
    %min3A_59 = arith.minsi %reduce_sum3A_58, %min3A : i32
    %broadcast_in_dim3A_60 = vector.broadcast %min3A_59 : i32 to vector<16xi32>
    %dma_wait3A_61 = arith.constant 0 : i32
    %dma_wait3A_62 = tpu.memref_slice %arg8[%dma_wait3A_61] : memref<112xf32, #tpu.memory_space<vmem>> -> memref<101xf32, #tpu.memory_space<vmem>>
    %dma_wait3A_63 = arith.constant 0 : i32
    %dma_wait3A_64 = tpu.memref_slice %arg8[%dma_wait3A_63] : memref<112xf32, #tpu.memory_space<vmem>> -> memref<101xf32, #tpu.memory_space<vmem>>
    tpu.wait_dma2 semaphore(%arg12 : memref<!tpu.dma_semaphore, #tpu.memory_space<semaphore_mem>>) src(%arg4 : memref<101xf32, #tpu.memory_space<hbm>>) dst(%dma_wait3A_64 : memref<101xf32, #tpu.memory_space<vmem>>)
    %iota3A_65 = tpu.iota {dimensions = array<i32: 0>} : vector<16xi32>
    %broadcast_in_dim3A_66 = arith.constant 0.000000e+00 : f32
    %broadcast_in_dim3A_67 = vector.broadcast %broadcast_in_dim3A_66 : f32 to vector<16xf32>
    %add3A_68 = arith.constant 0 : i32
    %add3A_69 = vector.broadcast %add3A_68 : i32 to vector<16xi32>
    %add3A_70 = arith.addi %iota3A_65, %add3A_69 : vector<16xi32>
    %eq3A = arith.cmpi eq, %add3A_70, %broadcast_in_dim3A_60 : vector<16xi32>
    %get3A_71 = arith.constant 0 : index
    %get3A_72 = tpu.vector_load %arg7[%get3A_71] {strides = array<i32>} : memref<112xf32, #tpu.memory_space<vmem>>, vector<16xf32>,
    %jit3A = arith.constant 0.000000e+00 : f32
    %broadcast_in_dim3A_73 = vector.broadcast %jit3A : f32 to vector<16xf32>
    %select_n3A = arith.select %eq3A, %get3A_72, %broadcast_in_dim3A_73 : vector<16xi1>, vector<16xf32>
    %add3A_74 = arith.addf %broadcast_in_dim3A_67, %select_n3A : vector<16xf32>
    %get3A_75 = arith.constant 0 : index
    %get3A_76 = tpu.vector_load %arg8[%get3A_75] {strides = array<i32>} : memref<112xf32, #tpu.memory_space<vmem>>, vector<16xf32>,
    %jit3A_77 = arith.constant 0.000000e+00 : f32
    %broadcast_in_dim3A_78 = vector.broadcast %jit3A_77 : f32 to vector<16xf32>
    %select_n3A_79 = arith.select %eq3A, %get3A_76, %broadcast_in_dim3A_78 : vector<16xi1>, vector<16xf32>
    %add3A_80 = arith.addf %add3A_74, %select_n3A_79 : vector<16xf32>
    %add3A_81 = arith.constant 16 : i32
    %add3A_82 = vector.broadcast %add3A_81 : i32 to vector<16xi32>
    %add3A_83 = arith.addi %iota3A_65, %add3A_82 : vector<16xi32>
    %eq3A_84 = arith.cmpi eq, %add3A_83, %broadcast_in_dim3A_60 : vector<16xi32>
    %get3A_85 = arith.constant 16 : index
    %get3A_86 = tpu.vector_load %arg7[%get3A_85] {strides = array<i32>} : memref<112xf32, #tpu.memory_space<vmem>>, vector<16xf32>,
    %jit3A_87 = arith.constant 0.000000e+00 : f32
    %broadcast_in_dim3A_88 = vector.broadcast %jit3A_87 : f32 to vector<16xf32>
    %select_n3A_89 = arith.select %eq3A_84, %get3A_86, %broadcast_in_dim3A_88 : vector<16xi1>, vector<16xf32>
    %add3A_90 = arith.addf %add3A_80, %select_n3A_89 : vector<16xf32>
    %get3A_91 = arith.constant 16 : index
    %get3A_92 = tpu.vector_load %arg8[%get3A_91] {strides = array<i32>} : memref<112xf32, #tpu.memory_space<vmem>>, vector<16xf32>,
    %jit3A_93 = arith.constant 0.000000e+00 : f32
    %broadcast_in_dim3A_94 = vector.broadcast %jit3A_93 : f32 to vector<16xf32>
    %select_n3A_95 = arith.select %eq3A_84, %get3A_92, %broadcast_in_dim3A_94 : vector<16xi1>, vector<16xf32>
    %add3A_96 = arith.addf %add3A_90, %select_n3A_95 : vector<16xf32>
    %add3A_97 = arith.constant 32 : i32
    %add3A_98 = vector.broadcast %add3A_97 : i32 to vector<16xi32>
    %add3A_99 = arith.addi %iota3A_65, %add3A_98 : vector<16xi32>
    %eq3A_100 = arith.cmpi eq, %add3A_99, %broadcast_in_dim3A_60 : vector<16xi32>
    %get3A_101 = arith.constant 32 : index
    %get3A_102 = tpu.vector_load %arg7[%get3A_101] {strides = array<i32>} : memref<112xf32, #tpu.memory_space<vmem>>, vector<16xf32>,
    %jit3A_103 = arith.constant 0.000000e+00 : f32
    %broadcast_in_dim3A_104 = vector.broadcast %jit3A_103 : f32 to vector<16xf32>
    %select_n3A_105 = arith.select %eq3A_100, %get3A_102, %broadcast_in_dim3A_104 : vector<16xi1>, vector<16xf32>
    %add3A_106 = arith.addf %add3A_96, %select_n3A_105 : vector<16xf32>
    %get3A_107 = arith.constant 32 : index
    %get3A_108 = tpu.vector_load %arg8[%get3A_107] {strides = array<i32>} : memref<112xf32, #tpu.memory_space<vmem>>, vector<16xf32>,
    %jit3A_109 = arith.constant 0.000000e+00 : f32
    %broadcast_in_dim3A_110 = vector.broadcast %jit3A_109 : f32 to vector<16xf32>
    %select_n3A_111 = arith.select %eq3A_100, %get3A_108, %broadcast_in_dim3A_110 : vector<16xi1>, vector<16xf32>
    %add3A_112 = arith.addf %add3A_106, %select_n3A_111 : vector<16xf32>
    %add3A_113 = arith.constant 48 : i32
    %add3A_114 = vector.broadcast %add3A_113 : i32 to vector<16xi32>
    %add3A_115 = arith.addi %iota3A_65, %add3A_114 : vector<16xi32>
    %eq3A_116 = arith.cmpi eq, %add3A_115, %broadcast_in_dim3A_60 : vector<16xi32>
    %get3A_117 = arith.constant 48 : index
    %get3A_118 = tpu.vector_load %arg7[%get3A_117] {strides = array<i32>} : memref<112xf32, #tpu.memory_space<vmem>>, vector<16xf32>,
    %jit3A_119 = arith.constant 0.000000e+00 : f32
    %broadcast_in_dim3A_120 = vector.broadcast %jit3A_119 : f32 to vector<16xf32>
    %select_n3A_121 = arith.select %eq3A_116, %get3A_118, %broadcast_in_dim3A_120 : vector<16xi1>, vector<16xf32>
    %add3A_122 = arith.addf %add3A_112, %select_n3A_121 : vector<16xf32>
    %get3A_123 = arith.constant 48 : index
    %get3A_124 = tpu.vector_load %arg8[%get3A_123] {strides = array<i32>} : memref<112xf32, #tpu.memory_space<vmem>>, vector<16xf32>,
    %jit3A_125 = arith.constant 0.000000e+00 : f32
    %broadcast_in_dim3A_126 = vector.broadcast %jit3A_125 : f32 to vector<16xf32>
    %select_n3A_127 = arith.select %eq3A_116, %get3A_124, %broadcast_in_dim3A_126 : vector<16xi1>, vector<16xf32>
    %add3A_128 = arith.addf %add3A_122, %select_n3A_127 : vector<16xf32>
    %add3A_129 = arith.constant 64 : i32
    %add3A_130 = vector.broadcast %add3A_129 : i32 to vector<16xi32>
    %add3A_131 = arith.addi %iota3A_65, %add3A_130 : vector<16xi32>
    %eq3A_132 = arith.cmpi eq, %add3A_131, %broadcast_in_dim3A_60 : vector<16xi32>
    %get3A_133 = arith.constant 64 : index
    %get3A_134 = tpu.vector_load %arg7[%get3A_133] {strides = array<i32>} : memref<112xf32, #tpu.memory_space<vmem>>, vector<16xf32>,
    %jit3A_135 = arith.constant 0.000000e+00 : f32
    %broadcast_in_dim3A_136 = vector.broadcast %jit3A_135 : f32 to vector<16xf32>
    %select_n3A_137 = arith.select %eq3A_132, %get3A_134, %broadcast_in_dim3A_136 : vector<16xi1>, vector<16xf32>
    %add3A_138 = arith.addf %add3A_128, %select_n3A_137 : vector<16xf32>
    %get3A_139 = arith.constant 64 : index
    %get3A_140 = tpu.vector_load %arg8[%get3A_139] {strides = array<i32>} : memref<112xf32, #tpu.memory_space<vmem>>, vector<16xf32>,
    %jit3A_141 = arith.constant 0.000000e+00 : f32
    %broadcast_in_dim3A_142 = vector.broadcast %jit3A_141 : f32 to vector<16xf32>
    %select_n3A_143 = arith.select %eq3A_132, %get3A_140, %broadcast_in_dim3A_142 : vector<16xi1>, vector<16xf32>
    %add3A_144 = arith.addf %add3A_138, %select_n3A_143 : vector<16xf32>
    %add3A_145 = arith.constant 80 : i32
    %add3A_146 = vector.broadcast %add3A_145 : i32 to vector<16xi32>
    %add3A_147 = arith.addi %iota3A_65, %add3A_146 : vector<16xi32>
    %eq3A_148 = arith.cmpi eq, %add3A_147, %broadcast_in_dim3A_60 : vector<16xi32>
    %get3A_149 = arith.constant 80 : index
    %get3A_150 = tpu.vector_load %arg7[%get3A_149] {strides = array<i32>} : memref<112xf32, #tpu.memory_space<vmem>>, vector<16xf32>,
    %jit3A_151 = arith.constant 0.000000e+00 : f32
    %broadcast_in_dim3A_152 = vector.broadcast %jit3A_151 : f32 to vector<16xf32>
    %select_n3A_153 = arith.select %eq3A_148, %get3A_150, %broadcast_in_dim3A_152 : vector<16xi1>, vector<16xf32>
    %add3A_154 = arith.addf %add3A_144, %select_n3A_153 : vector<16xf32>
    %get3A_155 = arith.constant 80 : index
    %get3A_156 = tpu.vector_load %arg8[%get3A_155] {strides = array<i32>} : memref<112xf32, #tpu.memory_space<vmem>>, vector<16xf32>,
    %jit3A_157 = arith.constant 0.000000e+00 : f32
    %broadcast_in_dim3A_158 = vector.broadcast %jit3A_157 : f32 to vector<16xf32>
    %select_n3A_159 = arith.select %eq3A_148, %get3A_156, %broadcast_in_dim3A_158 : vector<16xi1>, vector<16xf32>
    %add3A_160 = arith.addf %add3A_154, %select_n3A_159 : vector<16xf32>
    %add3A_161 = arith.constant 96 : i32
    %add3A_162 = vector.broadcast %add3A_161 : i32 to vector<16xi32>
    %add3A_163 = arith.addi %iota3A_65, %add3A_162 : vector<16xi32>
    %eq3A_164 = arith.cmpi eq, %add3A_163, %broadcast_in_dim3A_60 : vector<16xi32>
    %get3A_165 = arith.constant 96 : index
    %get3A_166 = tpu.vector_load %arg7[%get3A_165] {strides = array<i32>} : memref<112xf32, #tpu.memory_space<vmem>>, vector<16xf32>,
    %jit3A_167 = arith.constant 0.000000e+00 : f32
    %broadcast_in_dim3A_168 = vector.broadcast %jit3A_167 : f32 to vector<16xf32>
    %select_n3A_169 = arith.select %eq3A_164, %get3A_166, %broadcast_in_dim3A_168 : vector<16xi1>, vector<16xf32>
    %add3A_170 = arith.addf %add3A_160, %select_n3A_169 : vector<16xf32>
    %get3A_171 = arith.constant 96 : index
    %get3A_172 = tpu.vector_load %arg8[%get3A_171] {strides = array<i32>} : memref<112xf32, #tpu.memory_space<vmem>>, vector<16xf32>,
    %jit3A_173 = arith.constant 0.000000e+00 : f32
    %broadcast_in_dim3A_174 = vector.broadcast %jit3A_173 : f32 to vector<16xf32>
    %select_n3A_175 = arith.select %eq3A_164, %get3A_172, %broadcast_in_dim3A_174 : vector<16xi1>, vector<16xf32>
    %add3A_176 = arith.addf %add3A_170, %select_n3A_175 : vector<16xf32>
    %reduce_sum3A_177 = arith.constant true
    %reduce_sum3A_178 = vector.broadcast %reduce_sum3A_177 : i1 to vector<16xi1>
    %reduce_sum3A_179 = tpu.scan <sum>, %add3A_176 masked %reduce_sum3A_178 : vector<16xf32>, vector<16xi1> -> vector<16xf32>
    %reduce_sum3A_180 = vector.extract %reduce_sum3A_179[15] : f32 from vector<16xf32>
    %broadcast_in_dim3A_181 = vector.broadcast %reduce_sum3A_180 : f32 to vector<16xf32>
    %iota3A_182 = tpu.iota {dimensions = array<i32: 0>} : vector<16xi32>
    %broadcast_in_dim3A_183 = arith.constant 0 : i32
    %broadcast_in_dim3A_184 = vector.broadcast %broadcast_in_dim3A_183 : i32 to vector<16xi32>
    %get3A_185 = arith.constant 0 : index
    %get3A_186 = tpu.vector_load %arg7[%get3A_185] {strides = array<i32>} : memref<112xf32, #tpu.memory_space<vmem>>, vector<16xf32>,
    %lt3A_187 = arith.cmpf olt, %get3A_186, %broadcast_in_dim3A_181 : vector<16xf32>
    %convert_element_type3A_188 = arith.extui %lt3A_187 : vector<16xi1> to vector<16xi32>
    %add3A_189 = arith.addi %broadcast_in_dim3A_184, %convert_element_type3A_188 : vector<16xi32>
    %get3A_190 = arith.constant 16 : index
    %get3A_191 = tpu.vector_load %arg7[%get3A_190] {strides = array<i32>} : memref<112xf32, #tpu.memory_space<vmem>>, vector<16xf32>,
    %lt3A_192 = arith.cmpf olt, %get3A_191, %broadcast_in_dim3A_181 : vector<16xf32>
    %convert_element_type3A_193 = arith.extui %lt3A_192 : vector<16xi1> to vector<16xi32>
    %add3A_194 = arith.addi %add3A_189, %convert_element_type3A_193 : vector<16xi32>
    %get3A_195 = arith.constant 32 : index
    %get3A_196 = tpu.vector_load %arg7[%get3A_195] {strides = array<i32>} : memref<112xf32, #tpu.memory_space<vmem>>, vector<16xf32>,
    %lt3A_197 = arith.cmpf olt, %get3A_196, %broadcast_in_dim3A_181 : vector<16xf32>
    %convert_element_type3A_198 = arith.extui %lt3A_197 : vector<16xi1> to vector<16xi32>
    %add3A_199 = arith.addi %add3A_194, %convert_element_type3A_198 : vector<16xi32>
    %get3A_200 = arith.constant 48 : index
    %get3A_201 = tpu.vector_load %arg7[%get3A_200] {strides = array<i32>} : memref<112xf32, #tpu.memory_space<vmem>>, vector<16xf32>,
    %lt3A_202 = arith.cmpf olt, %get3A_201, %broadcast_in_dim3A_181 : vector<16xf32>
    %convert_element_type3A_203 = arith.extui %lt3A_202 : vector<16xi1> to vector<16xi32>
    %add3A_204 = arith.addi %add3A_199, %convert_element_type3A_203 : vector<16xi32>
    %get3A_205 = arith.constant 64 : index
    %get3A_206 = tpu.vector_load %arg7[%get3A_205] {strides = array<i32>} : memref<112xf32, #tpu.memory_space<vmem>>, vector<16xf32>,
    %lt3A_207 = arith.cmpf olt, %get3A_206, %broadcast_in_dim3A_181 : vector<16xf32>
    %convert_element_type3A_208 = arith.extui %lt3A_207 : vector<16xi1> to vector<16xi32>
    %add3A_209 = arith.addi %add3A_204, %convert_element_type3A_208 : vector<16xi32>
    %get3A_210 = arith.constant 80 : index
    %get3A_211 = tpu.vector_load %arg7[%get3A_210] {strides = array<i32>} : memref<112xf32, #tpu.memory_space<vmem>>, vector<16xf32>,
    %lt3A_212 = arith.cmpf olt, %get3A_211, %broadcast_in_dim3A_181 : vector<16xf32>
    %convert_element_type3A_213 = arith.extui %lt3A_212 : vector<16xi1> to vector<16xi32>
    %add3A_214 = arith.addi %add3A_209, %convert_element_type3A_213 : vector<16xi32>
    %get3A_215 = arith.constant 96 : index
    %get3A_216 = tpu.vector_load %arg7[%get3A_215] {strides = array<i32>} : memref<112xf32, #tpu.memory_space<vmem>>, vector<16xf32>,
    %lt3A_217 = arith.cmpf olt, %get3A_216, %broadcast_in_dim3A_181 : vector<16xf32>
    %lt3A_218 = arith.constant 5 : i32
    %lt3A_219 = vector.broadcast %lt3A_218 : i32 to vector<16xi32>
    %lt3A_220 = arith.cmpi slt, %iota3A_182, %lt3A_219 : vector<16xi32>
    %and3A_221 = arith.andi %lt3A_217, %lt3A_220 : vector<16xi1>
    %convert_element_type3A_222 = arith.extui %and3A_221 : vector<16xi1> to vector<16xi32>
    %add3A_223 = arith.addi %add3A_214, %convert_element_type3A_222 : vector<16xi32>
    %reduce_sum3A_224 = arith.constant true
    %reduce_sum3A_225 = vector.broadcast %reduce_sum3A_224 : i1 to vector<16xi1>
    %reduce_sum3A_226 = tpu.scan <sum>, %add3A_223 masked %reduce_sum3A_225 : vector<16xi32>, vector<16xi1> -> vector<16xi32>
    %reduce_sum3A_227 = vector.extract %reduce_sum3A_226[15] : i32 from vector<16xi32>
    %min3A_228 = arith.constant 100 : i32
    %min3A_229 = arith.minsi %reduce_sum3A_227, %min3A_228 : i32
    %broadcast_in_dim3A_230 = vector.broadcast %min3A_229 : i32 to vector<16xi32>
    %iota3A_231 = tpu.iota {dimensions = array<i32: 0>} : vector<16xi32>
    %broadcast_in_dim3A_232 = arith.constant 0.000000e+00 : f32
    %broadcast_in_dim3A_233 = vector.broadcast %broadcast_in_dim3A_232 : f32 to vector<16xf32>
    %get3A_234 = arith.constant 0 : index
    %get3A_235 = tpu.vector_load %arg7[%get3A_234] {strides = array<i32>} : memref<112xf32, #tpu.memory_space<vmem>>, vector<16xf32>,
    %add3A_236 = arith.constant 0 : i32
    %add3A_237 = vector.broadcast %add3A_236 : i32 to vector<16xi32>
    %add3A_238 = arith.addi %iota3A_231, %add3A_237 : vector<16xi32>
    %eq3A_239 = arith.cmpi eq, %add3A_238, %broadcast_in_dim3A_230 : vector<16xi32>
    %jit3A_240 = arith.constant 0.000000e+00 : f32
    %broadcast_in_dim3A_241 = vector.broadcast %jit3A_240 : f32 to vector<16xf32>
    %select_n3A_242 = arith.select %eq3A_239, %get3A_235, %broadcast_in_dim3A_241 : vector<16xi1>, vector<16xf32>
    %add3A_243 = arith.addf %broadcast_in_dim3A_233, %select_n3A_242 : vector<16xf32>
    %get3A_244 = arith.constant 16 : index
    %get3A_245 = tpu.vector_load %arg7[%get3A_244] {strides = array<i32>} : memref<112xf32, #tpu.memory_space<vmem>>, vector<16xf32>,
    %add3A_246 = arith.constant 16 : i32
    %add3A_247 = vector.broadcast %add3A_246 : i32 to vector<16xi32>
    %add3A_248 = arith.addi %iota3A_231, %add3A_247 : vector<16xi32>
    %eq3A_249 = arith.cmpi eq, %add3A_248, %broadcast_in_dim3A_230 : vector<16xi32>
    %jit3A_250 = arith.constant 0.000000e+00 : f32
    %broadcast_in_dim3A_251 = vector.broadcast %jit3A_250 : f32 to vector<16xf32>
    %select_n3A_252 = arith.select %eq3A_249, %get3A_245, %broadcast_in_dim3A_251 : vector<16xi1>, vector<16xf32>
    %add3A_253 = arith.addf %add3A_243, %select_n3A_252 : vector<16xf32>
    %get3A_254 = arith.constant 32 : index
    %get3A_255 = tpu.vector_load %arg7[%get3A_254] {strides = array<i32>} : memref<112xf32, #tpu.memory_space<vmem>>, vector<16xf32>,
    %add3A_256 = arith.constant 32 : i32
    %add3A_257 = vector.broadcast %add3A_256 : i32 to vector<16xi32>
    %add3A_258 = arith.addi %iota3A_231, %add3A_257 : vector<16xi32>
    %eq3A_259 = arith.cmpi eq, %add3A_258, %broadcast_in_dim3A_230 : vector<16xi32>
    %jit3A_260 = arith.constant 0.000000e+00 : f32
    %broadcast_in_dim3A_261 = vector.broadcast %jit3A_260 : f32 to vector<16xf32>
    %select_n3A_262 = arith.select %eq3A_259, %get3A_255, %broadcast_in_dim3A_261 : vector<16xi1>, vector<16xf32>
    %add3A_263 = arith.addf %add3A_253, %select_n3A_262 : vector<16xf32>
    %get3A_264 = arith.constant 48 : index
    %get3A_265 = tpu.vector_load %arg7[%get3A_264] {strides = array<i32>} : memref<112xf32, #tpu.memory_space<vmem>>, vector<16xf32>,
    %add3A_266 = arith.constant 48 : i32
    %add3A_267 = vector.broadcast %add3A_266 : i32 to vector<16xi32>
    %add3A_268 = arith.addi %iota3A_231, %add3A_267 : vector<16xi32>
    %eq3A_269 = arith.cmpi eq, %add3A_268, %broadcast_in_dim3A_230 : vector<16xi32>
    %jit3A_270 = arith.constant 0.000000e+00 : f32
    %broadcast_in_dim3A_271 = vector.broadcast %jit3A_270 : f32 to vector<16xf32>
    %select_n3A_272 = arith.select %eq3A_269, %get3A_265, %broadcast_in_dim3A_271 : vector<16xi1>, vector<16xf32>
    %add3A_273 = arith.addf %add3A_263, %select_n3A_272 : vector<16xf32>
    %get3A_274 = arith.constant 64 : index
    %get3A_275 = tpu.vector_load %arg7[%get3A_274] {strides = array<i32>} : memref<112xf32, #tpu.memory_space<vmem>>, vector<16xf32>,
    %add3A_276 = arith.constant 64 : i32
    %add3A_277 = vector.broadcast %add3A_276 : i32 to vector<16xi32>
    %add3A_278 = arith.addi %iota3A_231, %add3A_277 : vector<16xi32>
    %eq3A_279 = arith.cmpi eq, %add3A_278, %broadcast_in_dim3A_230 : vector<16xi32>
    %jit3A_280 = arith.constant 0.000000e+00 : f32
    %broadcast_in_dim3A_281 = vector.broadcast %jit3A_280 : f32 to vector<16xf32>
    %select_n3A_282 = arith.select %eq3A_279, %get3A_275, %broadcast_in_dim3A_281 : vector<16xi1>, vector<16xf32>
    %add3A_283 = arith.addf %add3A_273, %select_n3A_282 : vector<16xf32>
    %get3A_284 = arith.constant 80 : index
    %get3A_285 = tpu.vector_load %arg7[%get3A_284] {strides = array<i32>} : memref<112xf32, #tpu.memory_space<vmem>>, vector<16xf32>,
    %add3A_286 = arith.constant 80 : i32
    %add3A_287 = vector.broadcast %add3A_286 : i32 to vector<16xi32>
    %add3A_288 = arith.addi %iota3A_231, %add3A_287 : vector<16xi32>
    %eq3A_289 = arith.cmpi eq, %add3A_288, %broadcast_in_dim3A_230 : vector<16xi32>
    %jit3A_290 = arith.constant 0.000000e+00 : f32
    %broadcast_in_dim3A_291 = vector.broadcast %jit3A_290 : f32 to vector<16xf32>
    %select_n3A_292 = arith.select %eq3A_289, %get3A_285, %broadcast_in_dim3A_291 : vector<16xi1>, vector<16xf32>
    %add3A_293 = arith.addf %add3A_283, %select_n3A_292 : vector<16xf32>
    %get3A_294 = arith.constant 96 : index
    %get3A_295 = tpu.vector_load %arg7[%get3A_294] {strides = array<i32>} : memref<112xf32, #tpu.memory_space<vmem>>, vector<16xf32>,
    %add3A_296 = arith.constant 96 : i32
    %add3A_297 = vector.broadcast %add3A_296 : i32 to vector<16xi32>
    %add3A_298 = arith.addi %iota3A_231, %add3A_297 : vector<16xi32>
    %eq3A_299 = arith.cmpi eq, %add3A_298, %broadcast_in_dim3A_230 : vector<16xi32>
    %jit3A_300 = arith.constant 0.000000e+00 : f32
    %broadcast_in_dim3A_301 = vector.broadcast %jit3A_300 : f32 to vector<16xf32>
    %select_n3A_302 = arith.select %eq3A_299, %get3A_295, %broadcast_in_dim3A_301 : vector<16xi1>, vector<16xf32>
    %add3A_303 = arith.addf %add3A_293, %select_n3A_302 : vector<16xf32>
    %reduce_sum3A_304 = arith.constant true
    %reduce_sum3A_305 = vector.broadcast %reduce_sum3A_304 : i1 to vector<16xi1>
    %reduce_sum3A_306 = tpu.scan <sum>, %add3A_303 masked %reduce_sum3A_305 : vector<16xf32>, vector<16xi1> -> vector<16xf32>
    %reduce_sum3A_307 = vector.extract %reduce_sum3A_306[15] : f32 from vector<16xf32>
    %broadcast_in_dim3A_308 = vector.broadcast %reduce_sum3A_307 : f32 to vector<16xf32>
    %swap3A = arith.constant 0 : index
    %swap3A_309 = tpu.vector_load %arg9[%swap3A] {strides = array<i32>} : memref<16xf32, #tpu.memory_space<vmem>>, vector<16xf32>,
    tpu.vector_store %arg9[%swap3A], %broadcast_in_dim3A_308 {strides = array<i32>} : memref<16xf32, #tpu.memory_space<vmem>>, vector<16xf32>,
    "tpu.region"() ({
      %run_scoped3A = tpu.sem_alloc : memref<!tpu.dma_semaphore, #tpu.memory_space<semaphore_mem>>
      %dma_start3A_310 = arith.constant 0 : i32
      %dma_start3A_311 = tpu.memref_slice %arg9[%dma_start3A_310] : memref<16xf32, #tpu.memory_space<vmem>> -> memref<1xf32, #tpu.memory_space<vmem>>
      %dma_start3A_312 = arith.constant 0 : i32
      %dma_start3A_313 = tpu.memref_slice %arg9[%dma_start3A_312] : memref<16xf32, #tpu.memory_space<vmem>> -> memref<1xf32, #tpu.memory_space<vmem>>
      tpu.enqueue_dma source(%dma_start3A_313 : memref<1xf32, #tpu.memory_space<vmem>>) target(%arg5 : memref<1xf32, #tpu.memory_space<hbm>>) target_semaphore(%run_scoped3A : memref<!tpu.dma_semaphore, #tpu.memory_space<semaphore_mem>>)
      %dma_wait3A_314 = arith.constant 0 : i32
      %dma_wait3A_315 = tpu.memref_slice %arg9[%dma_wait3A_314] : memref<16xf32, #tpu.memory_space<vmem>> -> memref<1xf32, #tpu.memory_space<vmem>>
      %dma_wait3A_316 = arith.constant 0 : i32
      %dma_wait3A_317 = tpu.memref_slice %arg9[%dma_wait3A_316] : memref<16xf32, #tpu.memory_space<vmem>> -> memref<1xf32, #tpu.memory_space<vmem>>
      tpu.wait_dma2 semaphore(%run_scoped3A : memref<!tpu.dma_semaphore, #tpu.memory_space<semaphore_mem>>) src(%dma_wait3A_317 : memref<1xf32, #tpu.memory_space<vmem>>) dst(%arg5 : memref<1xf32, #tpu.memory_space<hbm>>)
      tpu.yield
    }) : () -> ()
    return
  }
}

</mosaic_0001>

<sc_bundles>
// kernel: kernel.3.cloned.1.call-start
scs
__scs_entry_jumppad:
0x0: {  	(pc) =	sbr.rel $0x88, $3  }
0x1: {  	(tag) =	ssettag $0x0;
	lr =	simm.s32 $0x1  }
0x2: {  	[smem:$0x3F9E] =	sst lr;
	_ =	strace $0xD0000000  }
0x3: {  	_ = 	snop  }
0x4: {  	_ = 	snop  }
0x5: {  	_ = 	snop  }
0x6: {  	_ = 	snop  }
0x7: {  	_ = 	snop  }
__scs_overlays_trampoline_lowered:
0x8: {  	[smem:$0x3FAD] =	sst s0  }
0x9: {  	[smem:$0x3FAE] =	sst s1  }
0xa: {  	[smem:$0x3FAF] =	sst s2  }
0xb: {  	[smem:$0x3FB0] =	sst s3  }
0xc: {  	[smem:$0x3FB1] =	sst s4  }
0xd: {  	[smem:$0x3FB2] =	sst s5  }
0xe: {  	[smem:$0x3FB3] =	sst s6  }
0xf: {  	[smem:$0x3FB4] =	sst s7  }
0x10: {  	[smem:$0x3FB5] =	sst s8  }
0x11: {  	[smem:$0x3FB6] =	sst s9;
	s0 =	simm.s32 @!p0 $0x0  }
0x12: {  	s1 =	sld [smem:$0x3F9C];
	s0 =	simm.s32 @p0 $0x1  }
0x13: {  	[smem:$0x3FB7] =	sst s0;
	s0 =	simm.s32 @!p1 $0x0  }
0x14: {  	s2 =	sld [smem:$0x3F9B];
	s0 =	simm.s32 @p1 $0x1  }
0x15: {  	[smem:$0x3FB8] =	sst s0;
	s0 =	simm.s32 @!p2 $0x0  }
0x16: {  	s3 =	sld [smem:$0x3FDB];
	s0 =	simm.s32 @p2 $0x1  }
0x17: {  	s4 =	simm.s32 $0x1BF5;
	[smem:$0x3FBA] =	sst s0  }
0x18: {  	s0 =	sld [smem:$0x3F9D];
	_ =	swait.ge [sflag:s4], $0x0  }
0x19: {  	s7 =	sld [smem:$0x3F9E]  }
0x1a: {  	s8 =	sadd.s32 $0xFFFFE003, lr  }
0x1b: {  	s9 =	sadd.s32 $0xFFFFFEF7, lr;
	s5 =	simm.s32 $0xFFFFFFFF;
	p2 =	slt.u32 s8, $0xFFFFF086  }
0x1c: {  	p1 =	slt.u32 s9, $0xF7A;
	s5 =	simm.s32 @!p2 $0x0  }
0x1d: {  	s5 =	simm.s32 @p1 $0x1;
	p0 =	seq.s32 s7, s2  }
0x1e: {  	s7 =	smul.u32 @!p0 $0xF7A, s2;
	p2 =	seq.s32 @!p0 s5, $0x0  }
0x1f: {  	s9 =	smul.u32 $0xF7A, s1;
	s8 =	simm.s32 @!p0 $0x1BF5;
	p2 =	por !p2, p0  }
0x20: {  	[sflag:s8] =	ssyncset.s32 @!p0 $0xFFFFF086;
	s6 =	sadd.s32 @!p0 s3, s7;
	s7 =	simm.s32 @!p0 $0x108  }
0x21: {  	s3 =	sadd.s32 s3, s9;
	s6 =	sadd.s32 @!p0 $0x88, s6;
	s7 =	simm.s32 @p2 $0x1082  }
0x22: {  	[simem:s7], [sflag:s8] =	dma.local @!p0 [hbm:s6], $0xF7A  }
0x23: {  	s9 =	sor.u32 $0xD0000000, s2;
	s6 =	simm.s32 $0x108;
	_ =	swait.ge @!p0 [sflag:s8], $0x0  }
0x24: {  	s3 =	sadd.s32 $0x88, s3;
	s6 =	simm.s32 @!p1 $0x1082;
	[sflag:s4] =	ssyncset.s32 $0xFFFFF086  }
0x25: {  	[simem:s6], [sflag:s4] =	dma.local [hbm:s3], $0xF7A  }
0x26: {  	[smem:$0x3F9E] =	sst s1;
	(tag) =	ssettag s2;
	_ =	strace s9  }
0x27: {  	s1 =	sld [smem:$0x3FAE]  }
0x28: {  	s2 =	sld [smem:$0x3FAF]  }
0x29: {  	s4 =	sld [smem:$0x3FB1]  }
0x2a: {  	p0 =	seq.s32 s5, $0x0;
	s5 =	sld [smem:$0x3FB2]  }
0x2b: {  	s6 =	sld [smem:$0x3FB3]  }
0x2c: {  	s7 =	sld [smem:$0x3FB4]  }
0x2d: {  	s3 =	simm.s32 $0x108;
	s8 =	sld [smem:$0x3FB5]  }
0x2e: {  	s3 =	simm.s32 @!p0 $0x1082;
	s9 =	sld [smem:$0x3FB6]  }
0x2f: {  	lr =	sadd.s32 s0, s3;
	s0 =	sld [smem:$0x3FAD]  }
0x30: {  	s3 =	sld [smem:$0x3FB0]  }
0x31: {  	[smem:$0x3FB9] =	sst s10  }
0x32: {  	s10 =	sld [smem:$0x3FB7];
	_ =	sdelay $0x3  }
0x33: {  	p0 =	seq.s32 s10, $0x1;
	s10 =	sld [smem:$0x3FB9];
	_ =	sdelay $0x3  }
0x34: {  	[smem:$0x3FB9] =	sst s10  }
0x35: {  	s10 =	sld [smem:$0x3FB8];
	_ =	sdelay $0x3  }
0x36: {  	p1 =	seq.s32 s10, $0x1;
	s10 =	sld [smem:$0x3FB9];
	_ =	sdelay $0x3  }
0x37: {  	[smem:$0x3FB9] =	sst s10  }
0x38: {  	s10 =	sld [smem:$0x3FBA]  }
0x39: {  	_ = 	snop;
	(pc) =	sbr.ind lr, $3  }
0x3a: {  	_ = 	snop  }
0x3b: {  	_ = 	snop  }
0x3c: {  	p2 =	seq.s32 s10, $0x1;
	s10 =	sld [smem:$0x3FB9]  }
0x3d: {  	_ =	shalt  }
0x3e: {  	_ =	shalt  }
0x3f: {  	_ =	shalt  }
0x40: {  	_ =	shalt  }
0x41: {  	_ =	shalt  }
0x42: {  	_ =	shalt  }
0x43: {  	_ =	shalt  }
0x44: {  	_ =	shalt  }
0x45: {  	_ =	shalt  }
0x46: {  	_ =	shalt  }
0x47: {  	_ =	shalt  }
0x48: {  	_ =	shalt  }
0x49: {  	_ =	shalt  }
0x4a: {  	_ =	shalt  }
0x4b: {  	_ =	shalt  }
0x4c: {  	_ =	shalt  }
0x4d: {  	_ =	shalt  }
0x4e: {  	_ =	shalt  }
0x4f: {  	_ =	shalt  }
0x50: {  	_ =	shalt  }
0x51: {  	_ =	shalt  }
0x52: {  	_ =	shalt  }
0x53: {  	_ =	shalt  }
0x54: {  	_ =	shalt  }
0x55: {  	_ =	shalt  }
0x56: {  	_ =	shalt  }
0x57: {  	_ =	shalt  }
0x58: {  	_ =	shalt  }
0x59: {  	_ =	shalt  }
0x5a: {  	_ =	shalt  }
0x5b: {  	_ =	shalt  }
0x5c: {  	_ =	shalt  }
0x5d: {  	_ =	shalt  }
0x5e: {  	_ =	shalt  }
0x5f: {  	_ =	shalt  }
0x60: {  	_ =	shalt  }
0x61: {  	_ =	shalt  }
0x62: {  	_ =	shalt  }
0x63: {  	_ =	shalt  }
0x64: {  	_ =	shalt  }
0x65: {  	_ =	shalt  }
0x66: {  	_ =	shalt  }
0x67: {  	_ =	shalt  }
0x68: {  	_ =	shalt  }
0x69: {  	_ =	shalt  }
0x6a: {  	_ =	shalt  }
0x6b: {  	_ =	shalt  }
0x6c: {  	_ =	shalt  }
0x6d: {  	_ =	shalt  }
0x6e: {  	_ =	shalt  }
0x6f: {  	_ =	shalt  }
0x70: {  	_ =	shalt  }
0x71: {  	_ =	shalt  }
0x72: {  	_ =	shalt  }
0x73: {  	_ =	shalt  }
0x74: {  	_ =	shalt  }
0x75: {  	_ =	shalt  }
0x76: {  	_ =	shalt  }
0x77: {  	_ =	shalt  }
0x78: {  	_ =	shalt  }
0x79: {  	_ =	shalt  }
0x7a: {  	_ =	shalt  }
0x7b: {  	_ =	shalt  }
0x7c: {  	_ =	shalt  }
0x7d: {  	_ =	shalt  }
0x7e: {  	_ =	shalt  }
0x7f: {  	_ =	shalt  }
0x80: {  	_ =	shalt  }
0x81: {  	_ =	shalt  }
0x82: {  	_ =	shalt  }
0x83: {  	_ =	shalt  }
0x84: {  	_ =	shalt  }
0x85: {  	_ =	shalt  }
0x86: {  	_ =	shalt  }
0x87: {  	_ =	shalt  }
.Lfunc_end0:
.L_simem_size_0:
called_computation_lowered:
.L_overlay_start_0:
0x88: {  	s0 =	sld [smem:$0x3FD9]  }
0x89: {  	s1 =	sld [smem:$0x3FFE];
	_ =	sdelay $0x3  }
0x8a: {  	s0 =	sadd.s32 s1, s0  }
0x8b: {  	[smem:$0x3FC5] =	sst s0  }
0x8c: {  	_ = 	snop  }
0x8d: {  	s0 =	sld [smem:$0x3FC9]  }
0x8e: {  	s17 =	sld [smem:$0x3FC8]  }
0x8f: {  	s2 =	sld [smem:$0x3FC7]  }
0x90: {  	s3 =	sld [smem:$0x3FD0];
	(tm) =	ssettm $0x1  }
0x91: {  	s4 =	sld [smem:$0x3FFB];
	_ =	sdelay $0x3  }
0x92: {  	_ =	strace s4  }
0x93: {  	s4 =	sld [smem:$0x3FFC];
	_ =	sdelay $0x3  }
0x94: {  	_ =	strace s4  }
0x95: {  	s4 =	sld [smem:$0x3FFD];
	_ =	sdelay $0x3  }
0x96: {  	_ =	strace s4  }
0x97: {  	_ =	strace $0x8FFFFFFF  }
0x98: {  	s18 =	sld [smem:$0x3FDB];
	_ =	sdelay $0x1  }
0x99: {  	s5 =	simm.s32 $_scs_section_size  }
0x9a: {  	s6 =	simm.s32 $_size__tile_overlayer_lowered;
	s7 =	simm.s32 $_tile_overlayer_lowered  }
0x9b: {  	s21 =	simm.s32 $0x1BFF;
	s20 =	sshll.u32 s7, $0x1;
	s4 =	sadd.s32 s5, s18  }
0x9c: {  	s8 =	simm.s32 $0x0;
	s19 =	sshll.u32 s6, $0x1;
	s6 =	sadd.s32 s20, s4  }
0x9d: {  	[timem:s8], [sflag:s21] =	dma.local [hbm:s6], s19  }
0x9e: {  	_ =	swait.ge [sflag:s21], s19  }
0x9f: {  	s5 =	ssub.s32 $0x0, s19;
	[sflag:s21] =	ssyncset.done $0x0  }
0xa0: {  	[sflag:s21] =	ssyncadd.s32 s5;
	_ =	sdelay $0x1  }
0xa1: {  	s22 =	simm.s32 $0x1B8B  }
0xa2: {  	_ =	swait.ge [sflag:s22], $0x1  }
0xa3: {  	[sflag:s22] =	ssyncset.done $0x0  }
0xa4: {  	s23 =	simm.s32 $0x1B8E;
	[sflag:s22] =	ssyncadd.s32 $0xFFFFFFFF  }
0xa5: {  	s24 =	simm.s32 $execute0_lowered;
	[smem:$0x3FD2] =	sst s23  }
0xa6: {  	s5 =	sshll.u32 s24, $0x1;
	_ =	strace $0x80000046;
	[dreg:$0x1] =	wrdreg $0xFFFFFFFF  }
0xa7: {  	s25 =	simm.s32 $_size_execute0_lowered;
	s4 =	sadd.s32 s4, s5;
	[dreg:$0x0] =	wrdreg $0x0  }
0xa8: {  	s5 =	sshll.u32 s25, $0x1;
	[dreg:$0x2] =	wrdreg s4  }
0xa9: {  	[dreg:$0x3] =	wrdreg s5  }
0xaa: {  	[dreg:$0x4] =	wrdreg $0xC0  }
0xab: {  	_ =	task [dreg:s8], $0x5FFFF  }
0xac: {  	[dreg:$0x1] =	wrdreg $0xFFFFFFFF  }
0xad: {  	[dreg:$0x0] =	wrdreg $0x60  }
0xae: {  	[dreg:$0x2] =	wrdreg s0  }
0xaf: {  	[dreg:$0x3] =	wrdreg s17  }
0xb0: {  	[dreg:$0x4] =	wrdreg s2  }
0xb1: {  	[dreg:$0x5] =	wrdreg s3  }
0xb2: {  	[dreg:$0x6] =	wrdreg $0x9  }
0xb3: {  	_ =	task.clear_ibuf [dreg:s8], $0x7FFFF;
	_ =	strace $0x90000046  }
0xb4: {  	s26 =	simm.s32 $0x9;
	_ =	strace $0x80000048  }
0xb5: {  	_ =	swait.ge [sflag:s26], $0x1  }
0xb6: {  	[sflag:s26] =	ssyncadd.s32 $0xFFFFFFFF  }
0xb7: {  	_ =	strace $0x90000048  }
0xb8: {  	_ =	sfence  }
0xb9: {  	s28 =	sld [smem:$0x0];
	_ =	sdelay $0x1  }
0xba: {  	s29 =	srdreg.scid  }
0xbb: {  	s30 =	sshll.u32 s29, $0xD;
	s31 =	sshrl.u32 s29, $0x2  }
0xbc: {  	s1 =	sand.u32 $0x1, s29;
	s2 =	sand.u32 $0x4000, s30;
	s0 =	sadd.s32 s31, s28  }
0xbd: {  	s1 =	sor.u32 s2, s1;
	s0 =	sshll.u32 s0, $0x11  }
0xbe: {  	s0 =	sor.u32 s0, s1  }
0xbf: {  	s0 =	sadd.s32 $0x8F2B, s0  }
0xc0: {  	[sflag:s0] =	ssyncadd.remote.s32 $0x1  }
0xc1: {  	_ =	sfence.sel $0xFFFF  }
0xc2: {  	[dreg:$0x0] =	wrdreg $0xFFFFFFFF;
	(pc) =	sbr.abs _section_cstart, $3  }
0xc3: {  	[dreg:$0x1] =	wrdreg $0xFFFFFFFF  }
0xc4: {  	_ =	task.clear_ibuf [dreg:s8], $0x2FFFF;
	_ =	strace $0x9FFFFFFF  }
0xc5: {  	(tm) =	ssettm $0x7FFFFFFF  }
tec
execute0_lowered:
.L_overlay_start_1:
0x0: {  	(tag) =	ssettag $0x1  }
0x1: {  	s2 =	stileid.u32  }
0x2: {  	p0 =	sne.s32 s2, $0x0  }
.Ltmp0:
0x3: {  	s5 =	rddreg [dreg:$0x0];
	(pc) =	sbr.rel @p0 .LBB2_2-.Ltmp0, $4  }
0x4: {  	s4 =	rddreg [dreg:$0x1]  }
0x5: {  	s3 =	rddreg [dreg:$0x2]  }
0x6: {  	s1 =	rddreg [dreg:$0x3]  }
0x7: {  	s0 =	rddreg [dreg:$0x4];
	_ =	strace $0x80000047  }
0x8: {  	s2 =	simm.s32 $0x0  }
0x9: {  	[tilespmem:s2], [sflag:$0x1] =	stream.linear.gather [hbm4b:s5+s2], $0x1, $0x38;
	[tilespmem:$0x200] =	vst v63  }
0xa: {  	s24 =	simm.s32 $0x80  }
0xb: {  	[tilespmem:s24], [sflag:$0x2] =	stream.linear.gather [hbm4b:s4+s2], $0x65, $0x38;
	[tilespmem:$0x200] =	vst v63  }
0xc: {  	s25 =	simm.s32 $0x100;
	s26 =	simm.s32 $0x1  }
0xd: {  	[tilespmem:s25], [sflag:$0x3] =	stream.linear.gather [hbm4b:s3+s2], $0x65, $0x38;
	[tilespmem:$0x200] =	vst v63  }
0xe: {  	_ =	swait.ge [sflag:s26], $0x1  }
0xf: {  	[sflag:s26] =	ssyncset.done $0x0  }
0x10: {  	s28 =	simm.s32 $0x2;
	[sflag:s26] =	ssyncadd.s32 $0xFFFFFFFF  }
0x11: {  	_ =	swait.ge [sflag:s28], $0x65  }
0x12: {  	[sflag:s28] =	ssyncset.done $0x0  }
0x13: {  	[sflag:s28] =	ssyncadd.s32 $0xFFFFFF9B  }
0x14: {  	v2 =	vld.msk [tilespmem:$0x0 ss:$0x0], $0xffff  }
0x15: {  	v3 =	vld [tilespmem:$0x80]  }
0x16: {  	v4 =	vld [tilespmem:$0x90]  }
0x17: {  	v5 =	vld [tilespmem:$0xA0]  }
0x18: {  	v6 =	vld [tilespmem:$0xB0]  }
0x19: {  	v7 =	vld [tilespmem:$0xC0]  }
0x1a: {  	v0 =	vld [tilespmem:$0xD0]  }
0x1b: {  	v1 =	vld [tilespmem:$0xE0]  }
0x1c: {  	v8 =	vimm.s32 $0x0;
	vm0 =	vlt.f32 v3, v2  }
0x1d: {  	vm1 =	vlt.f32 v4, v2;
	vm14 =	vlt.f32 v5, v2;
	vm15 =	vlt.f32 v6, v2  }
0x1e: {  	vm4 =	vlt.f32 v7, v2;
	v9 =	vsel vm0, $0x1, v8;
	v10 =	vsel vm1, $0x1, v8  }
0x1f: {  	vm5 =	vlt.f32 v0, v2;
	v33 =	vsel vm14, $0x1, v8;
	v9 =	vadd.s32 v9, v10  }
0x20: {  	vm2 =	vlt.f32 v1, v2;
	v34 =	vsel vm15, $0x1, v8;
	v9 =	vadd.s32 v33, v9  }
0x21: {  	v35 =	vsel vm4, $0x1, v8;
	vm0 =	vmmov $0x1f;
	v9 =	vadd.s32 v34, v9  }
0x22: {  	v37 =	vsel vm5, $0x1, v8;
	vm6 =	vmand vm2, vm0;
	v36 =	vadd.s32 v35, v9  }
0x23: {  	v38 =	vsel vm6, $0x1, v8;
	v2 =	vadd.s32 v37, v36  }
0x24: {  	v2 =	vadd.s32 v38, v2  }
0x25: {  	(xrf0) =	vadd.scan.msk.s32 $0xffff, v2;
	_ =	sdelay $0x5  }
0x26: {  	v2, _, _ =	vpop (xrf0)  }
0x27: {  	(v2sf) =	vpush v2, $0xF;
	_ =	sdelay $0xe  }
0x28: {  	s29 =	simm.s32 $0x3;
	s3 =	spop (v2sf)  }
0x29: {  	_ =	swait.ge [sflag:s29], $0x65  }
0x2a: {  	[sflag:s29] =	ssyncset.done $0x0  }
0x2b: {  	[sflag:s29] =	ssyncadd.s32 $0xFFFFFF9B  }
0x2c: {  	v39 =	vld [tilespmem:$0x100];
	_ =	sdelay $0x2  }
0x2d: {  	v40 =	vadd.f32 $0.0e+00, v3;
	p1 =	slt.s32 s3, $0x64  }
0x2e: {  	v41 =	vlaneseq.u32;
	s3 =	simm.s32 @!p1 $0x64;
	v11 =	vld [tilespmem:$0x110]  }
0x2f: {  	v13 =	vor.u32 $0x10, v41;
	v12 =	vmov s3;
	v2 =	vadd.f32 v39, v40  }
0x30: {  	vm7 =	veq.s32 v12, v41;
	vm8 =	veq.s32 v12, v13  }
0x31: {  	v14 =	vnsel vm8, $0x0, v4;
	v2 =	vnsel vm7, $0x0, v2  }
0x32: {  	v42 =	vld [tilespmem:$0x120];
	v2 =	vadd.f32 v14, v2  }
0x33: {  	v15 =	vor.u32 $0x20, v41;
	v11 =	vnsel vm8, $0x0, v11  }
0x34: {  	vm9 =	veq.s32 v12, v15;
	v2 =	vadd.f32 v2, v11  }
0x35: {  	v43 =	vnsel vm9, $0x0, v5  }
0x36: {  	v44 =	vld [tilespmem:$0x130];
	v2 =	vadd.f32 v2, v43  }
0x37: {  	v16 =	vor.u32 $0x30, v41;
	v14 =	vnsel vm9, $0x0, v42  }
0x38: {  	vm10 =	veq.s32 v12, v16;
	v2 =	vadd.f32 v2, v14  }
0x39: {  	v45 =	vnsel vm10, $0x0, v6  }
0x3a: {  	v46 =	vld [tilespmem:$0x140];
	v2 =	vadd.f32 v2, v45  }
0x3b: {  	v17 =	vor.u32 $0x40, v41;
	v11 =	vnsel vm10, $0x0, v44  }
0x3c: {  	vm11 =	veq.s32 v12, v17;
	v2 =	vadd.f32 v2, v11  }
0x3d: {  	v47 =	vnsel vm11, $0x0, v7  }
0x3e: {  	v48 =	vld [tilespmem:$0x150];
	v2 =	vadd.f32 v2, v47  }
0x3f: {  	v18 =	vor.u32 $0x50, v41;
	v14 =	vnsel vm11, $0x0, v46  }
0x40: {  	vm12 =	veq.s32 v12, v18;
	v2 =	vadd.f32 v2, v14  }
0x41: {  	v49 =	vnsel vm12, $0x0, v0  }
0x42: {  	v50 =	vld [tilespmem:$0x160];
	v2 =	vadd.f32 v2, v49  }
0x43: {  	v19 =	vor.u32 $0x60, v41;
	v11 =	vnsel vm12, $0x0, v48  }
0x44: {  	vm13 =	veq.s32 v12, v19;
	v2 =	vadd.f32 v2, v11  }
0x45: {  	v51 =	vnsel vm13, $0x0, v1  }
0x46: {  	v2 =	vadd.f32 v2, v51  }
0x47: {  	v52 =	vnsel vm13, $0x0, v50  }
0x48: {  	v2 =	vadd.f32 v2, v52;
	_ =	sdelay $0x1  }
0x49: {  	(xrf2) =	vadd.scan.msk.f32 $0xffff, v2;
	_ =	sdelay $0x9  }
0x4a: {  	v2, _, _ =	vpop (xrf2)  }
0x4b: {  	v2 =	vbroadcast v2, $0xF;
	_ =	sdelay $0x1  }
0x4c: {  	vm14 =	vlt.f32 v3, v2;
	vm15 =	vlt.f32 v4, v2;
	vm4 =	vlt.f32 v5, v2  }
0x4d: {  	vm5 =	vlt.f32 v6, v2;
	v3 =	vsel vm14, $0x1, v8;
	v53 =	vsel vm15, $0x1, v8  }
0x4e: {  	vm6 =	vlt.f32 v7, v2;
	v54 =	vsel vm4, $0x1, v8;
	v3 =	vadd.s32 v53, v3  }
0x4f: {  	vm7 =	vlt.f32 v0, v2;
	v55 =	vsel vm5, $0x1, v8;
	v3 =	vadd.s32 v54, v3  }
0x50: {  	vm8 =	vlt.f32 v1, v2;
	v56 =	vsel vm6, $0x1, v8;
	v3 =	vadd.s32 v55, v3  }
0x51: {  	v57 =	vsel vm7, $0x1, v8;
	vm0 =	vmand vm8, vm0;
	v3 =	vadd.s32 v56, v3  }
0x52: {  	v58 =	vsel vm0, $0x1, v8;
	v2 =	vadd.s32 v57, v3  }
0x53: {  	v2 =	vadd.s32 v58, v2  }
0x54: {  	(xrf0) =	vadd.scan.msk.s32 $0xffff, v2;
	_ =	sdelay $0x5  }
0x55: {  	v2, _, _ =	vpop (xrf0)  }
0x56: {  	(v2sf) =	vpush v2, $0xF;
	_ =	sdelay $0xe  }
0x57: {  	s3 =	spop (v2sf)  }
0x58: {  	p1 =	slt.s32 s3, $0x64  }
0x59: {  	s3 =	simm.s32 @!p1 $0x64  }
0x5a: {  	v59 =	vmov s3  }
0x5b: {  	vm9 =	veq.s32 v59, v41;
	vm10 =	veq.s32 v59, v13  }
0x5c: {  	v60 =	vnsel vm9, $0x0, v40;
	v4 =	vnsel vm10, $0x0, v4  }
0x5d: {  	vm11 =	veq.s32 v59, v15;
	v3 =	vadd.f32 v4, v60  }
0x5e: {  	v61 =	vnsel vm11, $0x0, v5  }
0x5f: {  	vm12 =	veq.s32 v59, v16;
	v3 =	vadd.f32 v3, v61  }
0x60: {  	v62 =	vnsel vm12, $0x0, v6  }
0x61: {  	vm13 =	veq.s32 v59, v17;
	v3 =	vadd.f32 v3, v62  }
0x62: {  	v63 =	vnsel vm13, $0x0, v7  }
0x63: {  	vm14 =	veq.s32 v59, v18;
	v3 =	vadd.f32 v3, v63  }
0x64: {  	v0 =	vnsel vm14, $0x0, v0  }
0x65: {  	vm15 =	veq.s32 v59, v19;
	v0 =	vadd.f32 v3, v0  }
0x66: {  	v1 =	vnsel vm15, $0x0, v1  }
0x67: {  	v0 =	vadd.f32 v0, v1;
	_ =	sdelay $0x1  }
0x68: {  	(xrf2) =	vadd.scan.msk.f32 $0xffff, v0;
	_ =	sdelay $0x9  }
0x69: {  	v0, _, _ =	vpop (xrf2)  }
0x6a: {  	v0 =	vbroadcast v0, $0xF;
	_ =	sdelay $0x1  }
0x6b: {  	s30 =	simm.s32 $0x180;
	s31 =	simm.s32 $0x4;
	[tilespmem:$0x180] =	vst v0  }
0x6c: {  	[hbm4b:s1+s2] =	stream.linear.scatter [tilespmem:s30], [sflag:$0x4], $0x1, $0x38;
	[tilespmem:$0x200] =	vst v63  }
0x6d: {  	_ =	swait.ge [sflag:s31], $0x1  }
0x6e: {  	[sflag:s31] =	ssyncset.done $0x0  }
0x6f: {  	[sflag:s31] =	ssyncadd.s32 $0xFFFFFFFF  }
.LBB2_2:
0x70: {  	_ =	sfence.sel $0x180000  }
0x71: {  	[bflag:$0x0] =	sbarrier.arrive $0xFFFF  }
0x72: {  	_ =	strace $0x90000047  }
0x73: {  	s0 =	sadd.s32 @!p0 $0x100000, s0;
	[bflag:$0x2] =	sbarrier.arrive $0xFFFF  }
0x74: {  	[sflag:s0] =	ssyncadd.tile.s32 @!p0 $0x1;
	_ =	shalt  }
.Lfunc_end2:
_tile_overlayer_lowered:
.L_overlay_start_2:
0x75: {  	(tag) =	ssettag $0x2  }
0x76: {  	s0 =	rddreg [dreg:$0x0];
	s2 =	stileid.u32  }
0x77: {  	s1 =	rddreg [dreg:$0x1];
	p0 =	sne.s32 s2, $0x0  }
0x78: {  	s3 =	rddreg [dreg:$0x2];
	[bflag:$0x3] =	sbarrier.arrive $0xFFFF;
	s2 =	simm.s32 @!p0 $0x1C04  }
0x79: {  	[timem:s3], [sflag:s2] =	dma.local @!p0 [hbm:s0], s1  }
0x7a: {  	s0 =	simm.s32 @!p0 $0x4  }
0x7b: {  	_ =	swait.ge @!p0 [sflag:s0], s1  }
0x7c: {  	s1 =	ssub.s32 @!p0 $0x0, s1;
	[sflag:s0] =	ssyncset.done @!p0 $0x0  }
0x7d: {  	[sflag:s0] =	ssyncadd.s32 @!p0 s1  }
0x7e: {  	[bflag:$0x3] =	sbarrier.arrive $0xFFFF  }
0x7f: {  	_ =	shalt  }

</sc_bundles>
